<compile_context>
chip_gen: v7x
topology: tpu7x:2x2x1
jax: 0.10.2.dev20260603
libtpu: 0.0.44.dev20260713+nightly
codegen_flags: <defaults>
</compile_context>

<pallas_src>
import jax
import jax.numpy as jnp
from jax.experimental import pallas as pl
from jax.experimental.pallas import tpu as pltpu

_BATCH = 16
_BAGS_LEN = 1042
_CT = 961
_GUIDE = _BAGS_LEN - _CT
_D = 768
_K = 3
_ITERS = 50
_CLS = 3


def _bag_kernel(xp_ref, xpt_ref, g_ref, xsq_ref, w_ref, b_ref, o_ref):
    xp = xp_ref[0]
    xpt = xpt_ref[0]
    guide = g_ref[0]
    x_sq = xsq_ref[0]

    def dist_assign(centers):
        prod = jax.lax.dot_general(
            centers, xpt, (((1,), (0,)), ((), ())),
            preferred_element_type=jnp.float32)
        sq = centers * centers
        acc = sq[:, 0:128]
        for k in range(1, _D // 128):
            acc = acc + sq[:, 128 * k:128 * (k + 1)]
        c_sq = jnp.sum(acc, axis=1, keepdims=True)
        d = (x_sq - 2.0 * prod) + c_sq
        d0, d1, d2 = d[0:1, :], d[1:2, :], d[2:3, :]
        return jnp.where(
            (d0 <= d1) & (d0 <= d2), 0,
            jnp.where(d1 <= d2, 1, 2)).astype(jnp.int32)

    def body(carry):
        i, centers, assign, _ = carry
        new_assign = dist_assign(centers)
        onehot = (new_assign == jax.lax.broadcasted_iota(
            jnp.int32, (_K, _CT), 0)).astype(jnp.float32)
        sums = jax.lax.dot_general(
            onehot, xp, (((1,), (0,)), ((), ())),
            preferred_element_type=jnp.float32,
            precision=jax.lax.Precision.HIGHEST)
        cnts = jnp.sum(onehot, axis=1, keepdims=True)
        centers = sums / jnp.maximum(cnts, 1.0)
        changed = jnp.any(new_assign != assign)
        return (i + 1, centers, new_assign, changed)

    def cond(carry):
        i, _, _, changed = carry
        return jnp.logical_and(i < _ITERS, changed)

    init = (jnp.int32(0), xp[:_K, :],
            jnp.full((1, _CT), -1, jnp.int32), jnp.bool_(True))
    _, centers, _, _ = jax.lax.while_loop(cond, body, init)
    assign = dist_assign(centers)

    scores = jax.lax.dot_general(
        guide, xpt, (((1,), (0,)), ((), ())),
        preferred_element_type=jnp.float32) * jnp.float32(1.0 / (_D ** 0.5))
    pvec = jnp.zeros((1, _CT), jnp.float32)
    for c in range(2):
        masked = jnp.where(assign == c, scores, jnp.float32(-1e9))
        m = jnp.max(masked, axis=1, keepdims=True)
        e = jnp.exp(masked - m)
        s = jnp.sum(e, axis=1, keepdims=True)
        pvec = pvec + jnp.sum(e / s, axis=0, keepdims=True)
    pvec = pvec * jnp.float32(1.0 / _GUIDE)

    agg = jax.lax.dot_general(
        pvec, xp, (((1,), (0,)), ((), ())),
        preferred_element_type=jnp.float32)
    logits = jax.lax.dot_general(
        agg, w_ref[...], (((1,), (0,)), ((), ())),
        preferred_element_type=jnp.float32) + b_ref[...]
    o_ref[0] = 2.0 * logits


def kernel(x, W, b):
    y = x.reshape(_BATCH, _BAGS_LEN, _D)
    xp = y[:, :_CT, :]
    xpt = jnp.swapaxes(xp, 1, 2)
    guide = y[:, _CT:, :]
    x_sq = jnp.sum(xp * xp, axis=2)[:, None, :]
    b2 = b.reshape(1, _CLS)

    out = pl.pallas_call(
        _bag_kernel,
        grid=(_BATCH,),
        in_specs=[
            pl.BlockSpec((1, _CT, _D), lambda i: (i, 0, 0)),
            pl.BlockSpec((1, _D, _CT), lambda i: (i, 0, 0)),
            pl.BlockSpec((1, _GUIDE, _D), lambda i: (i, 0, 0)),
            pl.BlockSpec((1, 1, _CT), lambda i: (i, 0, 0)),
            pl.BlockSpec((_D, _CLS), lambda i: (0, 0)),
            pl.BlockSpec((1, _CLS), lambda i: (0, 0)),
        ],
        out_specs=pl.BlockSpec((1, 1, _CLS), lambda i: (i, 0, 0)),
        out_shape=jax.ShapeDtypeStruct((_BATCH, 1, _CLS), jnp.float32),
        compiler_params=pltpu.CompilerParams(
            dimension_semantics=("arbitrary",)),
    )(xp, xpt, guide, x_sq, W, b2)
    return out.reshape(_BATCH, _CLS)

# --- scband reference (transcript-rebuilt; emitter-appended) ---
"""Pipeline reference for scband-tic-mil-parallel-head-17317308137750 (READ-ONLY COPY).

The authoritative reference and input builder live on the scoring server;
editing this copy changes nothing except your own understanding.
"""

import jax, jax.numpy as jnp
import numpy as np

BATCH = 16
BAGS_LEN = 1042
CLUSTER_TOK = 961
D = 768
K = 3
ITERS = 50
CLASS_NUM = 3


def setup_inputs(seed: int = 0) -> dict:
    key = jax.random.key(seed)
    k1, k2 = jax.random.split(key, 2)
    x = jax.random.normal(k1, (BATCH * BAGS_LEN, D), dtype=jnp.float32)
    W = jax.random.normal(k2, (D, CLASS_NUM), dtype=jnp.float32) * 0.02
    b = jnp.zeros((CLASS_NUM,), dtype=jnp.float32)
    return {"x": x, "W": W, "b": b}


def _kmeans_assign(xp):
    # TgiClustering.forward: fixed-iteration k-means (deterministic init = first K points
    # in place of kpp random init), matrix-version assignment (assign_data_point_mat_ver)
    # and cluster-mean update (upgrade_cluster_centre).
    xp = jax.lax.stop_gradient(xp)
    centers = xp[:K]
    x_sq = jnp.sum(xp * xp, axis=1, keepdims=True)  # [N,1]
    for _ in range(ITERS):
        c_sq = jnp.sum(centers * centers, axis=1)[None, :]  # [1,K]
        d2 = x_sq - 2.0 * (xp @ centers.T) + c_sq  # [N,K]
        assign = jnp.argmin(d2, axis=1)
        sums = jax.ops.segment_sum(xp, assign, num_segments=K)
        cnts = jax.ops.segment_sum(jnp.ones((xp.shape[0],), jnp.float32), assign, num_segments=K)
        centers = sums / jnp.maximum(cnts, 1.0)[:, None]
    c_sq = jnp.sum(centers * centers, axis=1)[None, :]
    d2 = x_sq - 2.0 * (xp @ centers.T) + c_sq
    return jnp.argmin(d2, axis=1)  # [N] int cluster ids


def _cross_attn_masked(query, keys, assign, c):
    # CrossAttnAggregate on the row-subset keys[assign==c]; implemented as masked
    # softmax over all rows (mathematically equal to selecting the subset rows).
    # Dropout is identity in eval.
    scores = (query @ keys.T) / jnp.sqrt(jnp.float32(keys.shape[-1]))
    mask = (assign == c)[None, :]
    scores = jnp.where(mask, scores, jnp.float32(-1e9))
    probs = jax.nn.softmax(scores, axis=-1)
    return probs @ keys


def _bag_forward(yb):
    # yb: [BAGS_LEN, D]; first 961 tokens clustered, last 81 are target-guiding tokens.
    xp = yb[:CLUSTER_TOK]
    guide = yb[CLUSTER_TOK:]
    assign = _kmeans_assign(xp)
    out_c1 = _cross_attn_masked(guide, xp, assign, 0)
    out_c2 = _cross_attn_masked(guide, xp, assign, 1)
    out = out_c1 + out_c2  # CrossAttnAggregate list branch: output_c1 + output_c2
    return jnp.mean(out, axis=0)  # aggregate guide tokens -> [D]


def reference(x, W, b):
    y = x.reshape(BATCH, BAGS_LEN, D)
    agg_y = jax.vmap(_bag_forward)(y)  # [BATCH, D]
    # head and head_2 share the same weights in the original module
    logits_1 = agg_y @ W + b
    logits_2 = agg_y @ W + b
    return logits_1 + logits_2

if __name__ == "__main__":
    import jax
    _d = setup_inputs()
    print(jax.jit(kernel)(*tuple(_d.values())))

</pallas_src>

<mosaic_0001>
module attributes {stable_mosaic.version = 14 : i64} {
  func.func @_bag_kernel(%arg0: i32, %arg1: memref<1x961x768xf32, #tpu.memory_space<vmem>>, %arg2: memref<1x768x961xf32, #tpu.memory_space<vmem>>, %arg3: memref<1x81x768xf32, #tpu.memory_space<vmem>>, %arg4: memref<1x1x961xf32, #tpu.memory_space<vmem>>, %arg5: memref<768x3xf32, #tpu.memory_space<vmem>>, %arg6: memref<1x3xf32, #tpu.memory_space<vmem>>, %arg7: memref<1x1x3xf32, #tpu.memory_space<vmem>>) attributes {dimension_semantics = [#tpu.dimension_semantics<arbitrary>], iteration_bounds = array<i64: 16>, scalar_prefetch = 0 : i64, scratch_operands = 0 : i64, tpu.core_type = #tpu.core_type<tc>, window_params = [{transform_indices = @transform_0, window_bounds = array<i64: 1, 961, 768>}, {transform_indices = @transform_1, window_bounds = array<i64: 1, 768, 961>}, {transform_indices = @transform_2, window_bounds = array<i64: 1, 81, 768>}, {transform_indices = @transform_3, window_bounds = array<i64: 1, 1, 961>}, {pipeline_mode = #tpu.pipeline_mode<synchronous>, transform_indices = @transform_4, window_bounds = array<i64: 768, 3>}, {pipeline_mode = #tpu.pipeline_mode<synchronous>, transform_indices = @transform_5, window_bounds = array<i64: 1, 3>}, {transform_indices = @transform_6, window_bounds = array<i64: 1, 1, 3>}]} {
    %get3A = arith.constant 0 : index
    %get3A_0 = arith.constant 0 : index
    %get3A_1 = arith.constant 0 : index
    %get3A_2 = vector.load %arg1[%get3A, %get3A_0, %get3A_1] : memref<1x961x768xf32, #tpu.memory_space<vmem>>, vector<1x961x768xf32>
    %get3A_3 = vector.shape_cast %get3A_2 : vector<1x961x768xf32> to vector<961x768xf32>
    %get3A_4 = arith.constant 0 : index
    %get3A_5 = arith.constant 0 : index
    %get3A_6 = arith.constant 0 : index
    %get3A_7 = vector.load %arg2[%get3A_4, %get3A_5, %get3A_6] : memref<1x768x961xf32, #tpu.memory_space<vmem>>, vector<1x768x961xf32>
    %get3A_8 = vector.shape_cast %get3A_7 : vector<1x768x961xf32> to vector<768x961xf32>
    %get3A_9 = arith.constant 0 : index
    %get3A_10 = arith.constant 0 : index
    %get3A_11 = arith.constant 0 : index
    %get3A_12 = vector.load %arg3[%get3A_9, %get3A_10, %get3A_11] : memref<1x81x768xf32, #tpu.memory_space<vmem>>, vector<1x81x768xf32>
    %get3A_13 = vector.shape_cast %get3A_12 : vector<1x81x768xf32> to vector<81x768xf32>
    %get3A_14 = arith.constant 0 : index
    %get3A_15 = arith.constant 0 : index
    %get3A_16 = arith.constant 0 : index
    %get3A_17 = vector.load %arg4[%get3A_14, %get3A_15, %get3A_16] : memref<1x1x961xf32, #tpu.memory_space<vmem>>, vector<1x1x961xf32>
    %get3A_18 = vector.shape_cast %get3A_17 : vector<1x1x961xf32> to vector<1x961xf32>
    %slice3A = vector.extract_strided_slice %get3A_3 {offsets = [0, 0], sizes = [3, 768], strides = [1, 1]} : vector<961x768xf32> to vector<3x768xf32>
    %broadcast_in_dim3A = arith.constant -1 : i32
    %broadcast_in_dim3A_19 = vector.broadcast %broadcast_in_dim3A : i32 to vector<1x961xi32>
    %while3A = arith.constant 0 : i32
    %while3A_20 = arith.constant true
    %while3A_21:4 = scf.while (%while3A_123 = %while3A, %while3A_124 = %slice3A, %while3A_125 = %broadcast_in_dim3A_19, %while3A_126 = %while3A_20) : (i32, vector<3x768xf32>, vector<1x961xi32>, i1) -> (i32, vector<3x768xf32>, vector<1x961xi32>, i1) {
      %lt3A = arith.constant 50 : i32
      %lt3A_127 = arith.cmpi slt, %while3A_123, %lt3A : i32
      %and3A_128 = arith.andi %lt3A_127, %while3A_126 : i1
      scf.condition(%and3A_128) %while3A_123, %while3A_124, %while3A_125, %while3A_126 : i32, vector<3x768xf32>, vector<1x961xi32>, i1
    } do {
    ^bb0(%while3A_123: i32, %while3A_124: vector<3x768xf32>, %while3A_125: vector<1x961xi32>, %while3A_126: i1):
      %dot_general3A_127 = arith.constant dense<0.000000e+00> : vector<3x961xf32>
      %dot_general3A_128 = tpu.matmul %while3A_124, %get3A_8, %dot_general3A_127 {dimension_numbers = #tpu.dot_dimension_numbers<[1], [0], [0], [1], [0, 0, 1, 1], [], []>, transpose_lhs_hint = false} : vector<3x768xf32>, vector<768x961xf32>, vector<3x961xf32> -> vector<3x961xf32>
      %mul3A_129 = arith.mulf %while3A_124, %while3A_124 : vector<3x768xf32>
      %slice3A_130 = vector.extract_strided_slice %mul3A_129 {offsets = [0, 0], sizes = [3, 128], strides = [1, 1]} : vector<3x768xf32> to vector<3x128xf32>
      %slice3A_131 = vector.extract_strided_slice %mul3A_129 {offsets = [0, 128], sizes = [3, 128], strides = [1, 1]} : vector<3x768xf32> to vector<3x128xf32>
      %add3A_132 = arith.addf %slice3A_130, %slice3A_131 : vector<3x128xf32>
      %slice3A_133 = vector.extract_strided_slice %mul3A_129 {offsets = [0, 256], sizes = [3, 128], strides = [1, 1]} : vector<3x768xf32> to vector<3x128xf32>
      %add3A_134 = arith.addf %add3A_132, %slice3A_133 : vector<3x128xf32>
      %slice3A_135 = vector.extract_strided_slice %mul3A_129 {offsets = [0, 384], sizes = [3, 128], strides = [1, 1]} : vector<3x768xf32> to vector<3x128xf32>
      %add3A_136 = arith.addf %add3A_134, %slice3A_135 : vector<3x128xf32>
      %slice3A_137 = vector.extract_strided_slice %mul3A_129 {offsets = [0, 512], sizes = [3, 128], strides = [1, 1]} : vector<3x768xf32> to vector<3x128xf32>
      %add3A_138 = arith.addf %add3A_136, %slice3A_137 : vector<3x128xf32>
      %slice3A_139 = vector.extract_strided_slice %mul3A_129 {offsets = [0, 640], sizes = [3, 128], strides = [1, 1]} : vector<3x768xf32> to vector<3x128xf32>
      %add3A_140 = arith.addf %add3A_138, %slice3A_139 : vector<3x128xf32>
      %reduce_sum3A_141 = arith.constant dense<0.000000e+00> : vector<3xf32>
      %reduce_sum3A_142 = vector.multi_reduction <add>, %add3A_140, %reduce_sum3A_141 [1] : vector<3x128xf32> to vector<3xf32>
      %broadcast_in_dim3A_143 = vector.shape_cast %reduce_sum3A_142 : vector<3xf32> to vector<3x1xf32>
      %mul3A_144 = arith.constant 2.000000e+00 : f32
      %mul3A_145 = vector.broadcast %mul3A_144 : f32 to vector<3x961xf32>
      %mul3A_146 = arith.mulf %mul3A_145, %dot_general3A_128 : vector<3x961xf32>
      %sub3A_147 = vector.broadcast %get3A_18 : vector<1x961xf32> to vector<3x961xf32>
      %sub3A_148 = arith.subf %sub3A_147, %mul3A_146 : vector<3x961xf32>
      %add3A_149 = vector.broadcast %broadcast_in_dim3A_143 : vector<3x1xf32> to vector<3x961xf32>
      %add3A_150 = arith.addf %sub3A_148, %add3A_149 : vector<3x961xf32>
      %slice3A_151 = vector.extract_strided_slice %add3A_150 {offsets = [0, 0], sizes = [1, 961], strides = [1, 1]} : vector<3x961xf32> to vector<1x961xf32>
      %slice3A_152 = vector.extract_strided_slice %add3A_150 {offsets = [1, 0], sizes = [1, 961], strides = [1, 1]} : vector<3x961xf32> to vector<1x961xf32>
      %slice3A_153 = vector.extract_strided_slice %add3A_150 {offsets = [2, 0], sizes = [1, 961], strides = [1, 1]} : vector<3x961xf32> to vector<1x961xf32>
      %le3A_154 = arith.cmpf ole, %slice3A_151, %slice3A_152 : vector<1x961xf32>
      %le3A_155 = arith.cmpf ole, %slice3A_151, %slice3A_153 : vector<1x961xf32>
      %and3A_156 = arith.andi %le3A_154, %le3A_155 : vector<1x961xi1>
      %le3A_157 = arith.cmpf ole, %slice3A_152, %slice3A_153 : vector<1x961xf32>
      %jit3A_158 = arith.constant 1 : i32
      %jit3A_159 = arith.constant 2 : i32
      %broadcast_in_dim3A_160 = vector.broadcast %jit3A_158 : i32 to vector<1x961xi32>
      %broadcast_in_dim3A_161 = vector.broadcast %jit3A_159 : i32 to vector<1x961xi32>
      %select_n3A_162 = arith.select %le3A_157, %broadcast_in_dim3A_160, %broadcast_in_dim3A_161 : vector<1x961xi1>, vector<1x961xi32>
      %jit3A_163 = arith.constant 0 : i32
      %broadcast_in_dim3A_164 = vector.broadcast %jit3A_163 : i32 to vector<1x961xi32>
      %select_n3A_165 = arith.select %and3A_156, %broadcast_in_dim3A_164, %select_n3A_162 : vector<1x961xi1>, vector<1x961xi32>
      %iota3A = tpu.iota {dimensions = array<i32: 0>} : vector<3x961xi32>
      %eq3A_166 = vector.broadcast %select_n3A_165 : vector<1x961xi32> to vector<3x961xi32>
      %eq3A_167 = arith.cmpi eq, %eq3A_166, %iota3A : vector<3x961xi32>
      %convert_element_type3A = arith.extui %eq3A_167 : vector<3x961xi1> to vector<3x961xi32>
      %convert_element_type3A_168 = arith.sitofp %convert_element_type3A : vector<3x961xi32> to vector<3x961xf32>
      %dot_general3A_169 = arith.constant dense<0.000000e+00> : vector<3x768xf32>
      %dot_general3A_170 = tpu.matmul %convert_element_type3A_168, %get3A_3, %dot_general3A_169 {dimension_numbers = #tpu.dot_dimension_numbers<[1], [0], [0], [1], [0, 0, 1, 1], [], []>, precision = #tpu.contract_precision<fp32>, transpose_lhs_hint = false} : vector<3x961xf32>, vector<961x768xf32>, vector<3x768xf32> -> vector<3x768xf32>
      %reduce_sum3A_171 = arith.constant dense<0.000000e+00> : vector<3xf32>
      %reduce_sum3A_172 = vector.multi_reduction <add>, %convert_element_type3A_168, %reduce_sum3A_171 [1] : vector<3x961xf32> to vector<3xf32>
      %broadcast_in_dim3A_173 = vector.shape_cast %reduce_sum3A_172 : vector<3xf32> to vector<3x1xf32>
      %max3A = arith.constant 1.000000e+00 : f32
      %max3A_174 = vector.broadcast %max3A : f32 to vector<3x1xf32>
      %max3A_175 = arith.maximumf %broadcast_in_dim3A_173, %max3A_174 : vector<3x1xf32>
      %div3A_176 = vector.broadcast %max3A_175 : vector<3x1xf32> to vector<3x768xf32>
      %div3A_177 = arith.divf %dot_general3A_170, %div3A_176 : vector<3x768xf32>
      %ne3A = arith.cmpi ne, %select_n3A_165, %while3A_125 : vector<1x961xi32>
      %reduce_or3A = arith.constant 1.000000e+00 : f32
      %reduce_or3A_178 = arith.constant 0.000000e+00 : f32
      %reduce_or3A_179 = vector.broadcast %reduce_or3A : f32 to vector<1x961xf32>
      %reduce_or3A_180 = vector.broadcast %reduce_or3A_178 : f32 to vector<1x961xf32>
      %reduce_or3A_181 = arith.select %ne3A, %reduce_or3A_179, %reduce_or3A_180 : vector<1x961xi1>, vector<1x961xf32>
      %reduce_or3A_182 = vector.shape_cast %reduce_or3A_181 : vector<1x961xf32> to vector<1x1x961xf32>
      %reduce_or3A_183 = arith.constant dense<0xFF800000> : vector<1xf32>
      %reduce_or3A_184 = vector.multi_reduction <maximumf>, %reduce_or3A_182, %reduce_or3A_183 [1, 2] : vector<1x1x961xf32> to vector<1xf32>
      %reduce_or3A_185 = vector.shape_cast %reduce_or3A_184 : vector<1xf32> to vector<1x1x1xf32>
      %reduce_or3A_186 = vector.extract %reduce_or3A_185[0, 0, 0] : f32 from vector<1x1x1xf32>
      %reduce_or3A_187 = arith.constant 0.000000e+00 : f32
      %reduce_or3A_188 = arith.cmpf ogt, %reduce_or3A_186, %reduce_or3A_187 : f32
      %add3A_189 = arith.constant 1 : i32
      %add3A_190 = arith.addi %while3A_123, %add3A_189 : i32
      scf.yield %add3A_190, %div3A_177, %select_n3A_165, %reduce_or3A_188 : i32, vector<3x768xf32>, vector<1x961xi32>, i1
    }
    %dot_general3A = arith.constant dense<0.000000e+00> : vector<3x961xf32>
    %dot_general3A_22 = tpu.matmul %while3A_21#1, %get3A_8, %dot_general3A {dimension_numbers = #tpu.dot_dimension_numbers<[1], [0], [0], [1], [0, 0, 1, 1], [], []>, transpose_lhs_hint = false} : vector<3x768xf32>, vector<768x961xf32>, vector<3x961xf32> -> vector<3x961xf32>
    %mul3A = arith.mulf %while3A_21#1, %while3A_21#1 : vector<3x768xf32>
    %slice3A_23 = vector.extract_strided_slice %mul3A {offsets = [0, 0], sizes = [3, 128], strides = [1, 1]} : vector<3x768xf32> to vector<3x128xf32>
    %slice3A_24 = vector.extract_strided_slice %mul3A {offsets = [0, 128], sizes = [3, 128], strides = [1, 1]} : vector<3x768xf32> to vector<3x128xf32>
    %add3A = arith.addf %slice3A_23, %slice3A_24 : vector<3x128xf32>
    %slice3A_25 = vector.extract_strided_slice %mul3A {offsets = [0, 256], sizes = [3, 128], strides = [1, 1]} : vector<3x768xf32> to vector<3x128xf32>
    %add3A_26 = arith.addf %add3A, %slice3A_25 : vector<3x128xf32>
    %slice3A_27 = vector.extract_strided_slice %mul3A {offsets = [0, 384], sizes = [3, 128], strides = [1, 1]} : vector<3x768xf32> to vector<3x128xf32>
    %add3A_28 = arith.addf %add3A_26, %slice3A_27 : vector<3x128xf32>
    %slice3A_29 = vector.extract_strided_slice %mul3A {offsets = [0, 512], sizes = [3, 128], strides = [1, 1]} : vector<3x768xf32> to vector<3x128xf32>
    %add3A_30 = arith.addf %add3A_28, %slice3A_29 : vector<3x128xf32>
    %slice3A_31 = vector.extract_strided_slice %mul3A {offsets = [0, 640], sizes = [3, 128], strides = [1, 1]} : vector<3x768xf32> to vector<3x128xf32>
    %add3A_32 = arith.addf %add3A_30, %slice3A_31 : vector<3x128xf32>
    %reduce_sum3A = arith.constant dense<0.000000e+00> : vector<3xf32>
    %reduce_sum3A_33 = vector.multi_reduction <add>, %add3A_32, %reduce_sum3A [1] : vector<3x128xf32> to vector<3xf32>
    %broadcast_in_dim3A_34 = vector.shape_cast %reduce_sum3A_33 : vector<3xf32> to vector<3x1xf32>
    %mul3A_35 = arith.constant 2.000000e+00 : f32
    %mul3A_36 = vector.broadcast %mul3A_35 : f32 to vector<3x961xf32>
    %mul3A_37 = arith.mulf %mul3A_36, %dot_general3A_22 : vector<3x961xf32>
    %sub3A = vector.broadcast %get3A_18 : vector<1x961xf32> to vector<3x961xf32>
    %sub3A_38 = arith.subf %sub3A, %mul3A_37 : vector<3x961xf32>
    %add3A_39 = vector.broadcast %broadcast_in_dim3A_34 : vector<3x1xf32> to vector<3x961xf32>
    %add3A_40 = arith.addf %sub3A_38, %add3A_39 : vector<3x961xf32>
    %slice3A_41 = vector.extract_strided_slice %add3A_40 {offsets = [0, 0], sizes = [1, 961], strides = [1, 1]} : vector<3x961xf32> to vector<1x961xf32>
    %slice3A_42 = vector.extract_strided_slice %add3A_40 {offsets = [1, 0], sizes = [1, 961], strides = [1, 1]} : vector<3x961xf32> to vector<1x961xf32>
    %slice3A_43 = vector.extract_strided_slice %add3A_40 {offsets = [2, 0], sizes = [1, 961], strides = [1, 1]} : vector<3x961xf32> to vector<1x961xf32>
    %le3A = arith.cmpf ole, %slice3A_41, %slice3A_42 : vector<1x961xf32>
    %le3A_44 = arith.cmpf ole, %slice3A_41, %slice3A_43 : vector<1x961xf32>
    %and3A = arith.andi %le3A, %le3A_44 : vector<1x961xi1>
    %le3A_45 = arith.cmpf ole, %slice3A_42, %slice3A_43 : vector<1x961xf32>
    %jit3A = arith.constant 1 : i32
    %jit3A_46 = arith.constant 2 : i32
    %broadcast_in_dim3A_47 = vector.broadcast %jit3A : i32 to vector<1x961xi32>
    %broadcast_in_dim3A_48 = vector.broadcast %jit3A_46 : i32 to vector<1x961xi32>
    %select_n3A = arith.select %le3A_45, %broadcast_in_dim3A_47, %broadcast_in_dim3A_48 : vector<1x961xi1>, vector<1x961xi32>
    %jit3A_49 = arith.constant 0 : i32
    %broadcast_in_dim3A_50 = vector.broadcast %jit3A_49 : i32 to vector<1x961xi32>
    %select_n3A_51 = arith.select %and3A, %broadcast_in_dim3A_50, %select_n3A : vector<1x961xi1>, vector<1x961xi32>
    %dot_general3A_52 = arith.constant dense<0.000000e+00> : vector<81x961xf32>
    %dot_general3A_53 = tpu.matmul %get3A_13, %get3A_8, %dot_general3A_52 {dimension_numbers = #tpu.dot_dimension_numbers<[1], [0], [0], [1], [0, 0, 1, 1], [], []>, transpose_lhs_hint = false} : vector<81x768xf32>, vector<768x961xf32>, vector<81x961xf32> -> vector<81x961xf32>
    %mul3A_54 = arith.constant 0.0360843912 : f32
    %mul3A_55 = vector.broadcast %mul3A_54 : f32 to vector<81x961xf32>
    %mul3A_56 = arith.mulf %dot_general3A_53, %mul3A_55 : vector<81x961xf32>
    %broadcast_in_dim3A_57 = arith.constant 0.000000e+00 : f32
    %broadcast_in_dim3A_58 = vector.broadcast %broadcast_in_dim3A_57 : f32 to vector<1x961xf32>
    %eq3A = arith.constant 0 : i32
    %eq3A_59 = vector.broadcast %eq3A : i32 to vector<1x961xi32>
    %eq3A_60 = arith.cmpi eq, %select_n3A_51, %eq3A_59 : vector<1x961xi32>
    %jit3A_61 = arith.constant -1.000000e+09 : f32
    %broadcast_in_dim3A_62 = vector.shape_cast %eq3A_60 : vector<1x961xi1> to vector<1x961xi1>
    %broadcast_in_dim3A_63 = vector.broadcast %broadcast_in_dim3A_62 : vector<1x961xi1> to vector<81x961xi1>
    %broadcast_in_dim3A_64 = vector.broadcast %jit3A_61 : f32 to vector<81x961xf32>
    %select_n3A_65 = arith.select %broadcast_in_dim3A_63, %mul3A_56, %broadcast_in_dim3A_64 : vector<81x961xi1>, vector<81x961xf32>
    %reduce_max3A = arith.constant dense<0xFF800000> : vector<81xf32>
    %reduce_max3A_66 = vector.multi_reduction <maximumf>, %select_n3A_65, %reduce_max3A [1] : vector<81x961xf32> to vector<81xf32>
    %broadcast_in_dim3A_67 = vector.shape_cast %reduce_max3A_66 : vector<81xf32> to vector<81x1xf32>
    %sub3A_68 = vector.broadcast %broadcast_in_dim3A_67 : vector<81x1xf32> to vector<81x961xf32>
    %sub3A_69 = arith.subf %select_n3A_65, %sub3A_68 : vector<81x961xf32>
    %exp3A = math.exp %sub3A_69 : vector<81x961xf32>
    %reduce_sum3A_70 = arith.constant dense<0.000000e+00> : vector<81xf32>
    %reduce_sum3A_71 = vector.multi_reduction <add>, %exp3A, %reduce_sum3A_70 [1] : vector<81x961xf32> to vector<81xf32>
    %broadcast_in_dim3A_72 = vector.shape_cast %reduce_sum3A_71 : vector<81xf32> to vector<81x1xf32>
    %div3A = vector.broadcast %broadcast_in_dim3A_72 : vector<81x1xf32> to vector<81x961xf32>
    %div3A_73 = arith.divf %exp3A, %div3A : vector<81x961xf32>
    %reduce_sum3A_74 = arith.constant dense<0.000000e+00> : vector<961xf32>
    %reduce_sum3A_75 = vector.multi_reduction <add>, %div3A_73, %reduce_sum3A_74 [0] : vector<81x961xf32> to vector<961xf32>
    %broadcast_in_dim3A_76 = vector.shape_cast %reduce_sum3A_75 : vector<961xf32> to vector<1x961xf32>
    %add3A_77 = arith.addf %broadcast_in_dim3A_58, %broadcast_in_dim3A_76 : vector<1x961xf32>
    %eq3A_78 = arith.constant 1 : i32
    %eq3A_79 = vector.broadcast %eq3A_78 : i32 to vector<1x961xi32>
    %eq3A_80 = arith.cmpi eq, %select_n3A_51, %eq3A_79 : vector<1x961xi32>
    %jit3A_81 = arith.constant -1.000000e+09 : f32
    %broadcast_in_dim3A_82 = vector.shape_cast %eq3A_80 : vector<1x961xi1> to vector<1x961xi1>
    %broadcast_in_dim3A_83 = vector.broadcast %broadcast_in_dim3A_82 : vector<1x961xi1> to vector<81x961xi1>
    %broadcast_in_dim3A_84 = vector.broadcast %jit3A_81 : f32 to vector<81x961xf32>
    %select_n3A_85 = arith.select %broadcast_in_dim3A_83, %mul3A_56, %broadcast_in_dim3A_84 : vector<81x961xi1>, vector<81x961xf32>
    %reduce_max3A_86 = arith.constant dense<0xFF800000> : vector<81xf32>
    %reduce_max3A_87 = vector.multi_reduction <maximumf>, %select_n3A_85, %reduce_max3A_86 [1] : vector<81x961xf32> to vector<81xf32>
    %broadcast_in_dim3A_88 = vector.shape_cast %reduce_max3A_87 : vector<81xf32> to vector<81x1xf32>
    %sub3A_89 = vector.broadcast %broadcast_in_dim3A_88 : vector<81x1xf32> to vector<81x961xf32>
    %sub3A_90 = arith.subf %select_n3A_85, %sub3A_89 : vector<81x961xf32>
    %exp3A_91 = math.exp %sub3A_90 : vector<81x961xf32>
    %reduce_sum3A_92 = arith.constant dense<0.000000e+00> : vector<81xf32>
    %reduce_sum3A_93 = vector.multi_reduction <add>, %exp3A_91, %reduce_sum3A_92 [1] : vector<81x961xf32> to vector<81xf32>
    %broadcast_in_dim3A_94 = vector.shape_cast %reduce_sum3A_93 : vector<81xf32> to vector<81x1xf32>
    %div3A_95 = vector.broadcast %broadcast_in_dim3A_94 : vector<81x1xf32> to vector<81x961xf32>
    %div3A_96 = arith.divf %exp3A_91, %div3A_95 : vector<81x961xf32>
    %reduce_sum3A_97 = arith.constant dense<0.000000e+00> : vector<961xf32>
    %reduce_sum3A_98 = vector.multi_reduction <add>, %div3A_96, %reduce_sum3A_97 [0] : vector<81x961xf32> to vector<961xf32>
    %broadcast_in_dim3A_99 = vector.shape_cast %reduce_sum3A_98 : vector<961xf32> to vector<1x961xf32>
    %add3A_100 = arith.addf %add3A_77, %broadcast_in_dim3A_99 : vector<1x961xf32>
    %mul3A_101 = arith.constant 0.0123456791 : f32
    %mul3A_102 = vector.broadcast %mul3A_101 : f32 to vector<1x961xf32>
    %mul3A_103 = arith.mulf %add3A_100, %mul3A_102 : vector<1x961xf32>
    %dot_general3A_104 = arith.constant dense<0.000000e+00> : vector<1x768xf32>
    %dot_general3A_105 = tpu.matmul %mul3A_103, %get3A_3, %dot_general3A_104 {dimension_numbers = #tpu.dot_dimension_numbers<[1], [0], [0], [1], [0, 0, 1, 1], [], []>, transpose_lhs_hint = false} : vector<1x961xf32>, vector<961x768xf32>, vector<1x768xf32> -> vector<1x768xf32>
    %get3A_106 = arith.constant 0 : index
    %get3A_107 = arith.constant 0 : index
    %get3A_108 = vector.load %arg5[%get3A_106, %get3A_107] : memref<768x3xf32, #tpu.memory_space<vmem>>, vector<768x3xf32>
    %dot_general3A_109 = arith.constant dense<0.000000e+00> : vector<1x3xf32>
    %dot_general3A_110 = tpu.matmul %dot_general3A_105, %get3A_108, %dot_general3A_109 {dimension_numbers = #tpu.dot_dimension_numbers<[1], [0], [0], [1], [0, 0, 1, 1], [], []>, transpose_lhs_hint = false} : vector<1x768xf32>, vector<768x3xf32>, vector<1x3xf32> -> vector<1x3xf32>
    %get3A_111 = arith.constant 0 : index
    %get3A_112 = arith.constant 0 : index
    %get3A_113 = vector.load %arg6[%get3A_111, %get3A_112] : memref<1x3xf32, #tpu.memory_space<vmem>>, vector<1x3xf32>
    %add3A_114 = arith.addf %dot_general3A_110, %get3A_113 : vector<1x3xf32>
    %mul3A_115 = arith.constant 2.000000e+00 : f32
    %mul3A_116 = vector.broadcast %mul3A_115 : f32 to vector<1x3xf32>
    %mul3A_117 = arith.mulf %mul3A_116, %add3A_114 : vector<1x3xf32>
    %swap3A = arith.constant 0 : index
    %swap3A_118 = arith.constant 0 : index
    %swap3A_119 = arith.constant 0 : index
    %swap3A_120 = vector.load %arg7[%swap3A, %swap3A_118, %swap3A_119] : memref<1x1x3xf32, #tpu.memory_space<vmem>>, vector<1x1x3xf32>
    %swap3A_121 = vector.shape_cast %swap3A_120 : vector<1x1x3xf32> to vector<1x3xf32>
    %swap3A_122 = vector.shape_cast %mul3A_117 : vector<1x3xf32> to vector<1x1x3xf32>
    tpu.vector_store %arg7[%swap3A, %swap3A_118, %swap3A_119], %swap3A_122 {strides = array<i32>} : memref<1x1x3xf32, #tpu.memory_space<vmem>>, vector<1x1x3xf32>,
    return
  }
  func.func @transform_0(%arg0: i32) -> (i32, i32, i32) {
    %c0_i32 = arith.constant 0 : i32
    %c0_i32_0 = arith.constant 0 : i32
    %c0_i32_1 = arith.constant 0 : i32
    return %arg0, %c0_i32, %c0_i32_0 : i32, i32, i32
  }
  func.func @transform_1(%arg0: i32) -> (i32, i32, i32) {
    %c0_i32 = arith.constant 0 : i32
    %c0_i32_0 = arith.constant 0 : i32
    %c0_i32_1 = arith.constant 0 : i32
    return %arg0, %c0_i32, %c0_i32_0 : i32, i32, i32
  }
  func.func @transform_2(%arg0: i32) -> (i32, i32, i32) {
    %c0_i32 = arith.constant 0 : i32
    %c0_i32_0 = arith.constant 0 : i32
    %c0_i32_1 = arith.constant 0 : i32
    return %arg0, %c0_i32, %c0_i32_0 : i32, i32, i32
  }
  func.func @transform_3(%arg0: i32) -> (i32, i32, i32) {
    %c0_i32 = arith.constant 0 : i32
    %c0_i32_0 = arith.constant 0 : i32
    %c0_i32_1 = arith.constant 0 : i32
    return %arg0, %c0_i32, %c0_i32_0 : i32, i32, i32
  }
  func.func @transform_4(%arg0: i32) -> (i32, i32) {
    %c0_i32 = arith.constant 0 : i32
    %c0_i32_0 = arith.constant 0 : i32
    %c0_i32_1 = arith.constant 0 : i32
    return %c0_i32, %c0_i32_0 : i32, i32
  }
  func.func @transform_5(%arg0: i32) -> (i32, i32) {
    %c0_i32 = arith.constant 0 : i32
    %c0_i32_0 = arith.constant 0 : i32
    %c0_i32_1 = arith.constant 0 : i32
    return %c0_i32, %c0_i32_0 : i32, i32
  }
  func.func @transform_6(%arg0: i32) -> (i32, i32, i32) {
    %c0_i32 = arith.constant 0 : i32
    %c0_i32_0 = arith.constant 0 : i32
    %c0_i32_1 = arith.constant 0 : i32
    return %arg0, %c0_i32, %c0_i32_0 : i32, i32, i32
  }
}

</mosaic_0001>

<sc_bundles>
// kernel: sparse-core-data-format-call.cloned.1.call-start
scs
called_computation_lowered:
.L_overlay_start_0:
0x0: {  	s1 =	sld [smem:$0x3FD9]  }
0x1: {  	s2 =	sld [smem:$0x3FFE];
	_ =	sdelay $0x1  }
0x2: {  	s3 =	srdreg.scid  }
0x3: {  	s0 =	sand.u32 $0x1, s3  }
0x4: {  	s17 =	sshll.u32 s0, $0xA;
	s1 =	sadd.s32 s2, s1  }
0x5: {  	s1 =	sadd.s32 s1, s17  }
0x6: {  	[smem:$0x3FC5] =	sst s1  }
0x7: {  	_ = 	snop  }
0x8: {  	(tm) =	ssettm $0x1  }
0x9: {  	s18 =	sld [smem:$0x3FFB];
	_ =	sdelay $0x3  }
0xa: {  	_ =	strace s18  }
0xb: {  	s1 =	sld [smem:$0x3FFC];
	_ =	sdelay $0x3  }
0xc: {  	_ =	strace s1  }
0xd: {  	s1 =	sld [smem:$0x3FFD];
	_ =	sdelay $0x3  }
0xe: {  	_ =	strace s1  }
0xf: {  	_ =	strace $0x8FFFFFFF  }
0x10: {  	s19 =	sld [smem:$0x3FDB];
	_ =	sdelay $0x1  }
0x11: {  	s20 =	simm.s32 $_scs_section_size  }
0x12: {  	s4 =	simm.s32 $_size__tile_overlayer_lowered;
	s5 =	simm.s32 $_tile_overlayer_lowered  }
0x13: {  	s23 =	simm.s32 $0x1BFF;
	s22 =	sshll.u32 s5, $0x1;
	s1 =	sadd.s32 s20, s19  }
0x14: {  	s6 =	simm.s32 $0x0;
	s21 =	sshll.u32 s4, $0x1;
	s4 =	sadd.s32 s22, s1  }
0x15: {  	[timem:s6], [sflag:s23] =	dma.local [hbm:s4], s21  }
0x16: {  	_ =	swait.ge [sflag:s23], s21  }
0x17: {  	s2 =	ssub.s32 $0x0, s21;
	[sflag:s23] =	ssyncset.done $0x0  }
0x18: {  	[sflag:s23] =	ssyncadd.s32 s2;
	_ =	sdelay $0x1  }
0x19: {  	s24 =	simm.s32 $0x1B8B  }
0x1a: {  	_ =	swait.ge [sflag:s24], $0x1  }
0x1b: {  	[sflag:s24] =	ssyncset.done $0x0  }
0x1c: {  	s26 =	simm.s32 $0x1B8E;
	s25 =	sld [smem:$0x3FFE];
	[sflag:s24] =	ssyncadd.s32 $0xFFFFFFFF  }
0x1d: {  	s27 =	simm.s32 $execute0_lowered;
	[smem:$0x3FD2] =	sst s26  }
0x1e: {  	s4 =	sshll.u32 s27, $0x1;
	_ =	strace $0x80000046;
	[dreg:$0x1] =	wrdreg $0xFFFFFFFF  }
0x1f: {  	s28 =	simm.s32 $_size_execute0_lowered;
	s1 =	sadd.s32 s1, s4;
	[dreg:$0x0] =	wrdreg $0x0  }
0x20: {  	s4 =	sshll.u32 s28, $0x1;
	[dreg:$0x2] =	wrdreg s1  }
0x21: {  	[dreg:$0x3] =	wrdreg s4  }
0x22: {  	[dreg:$0x4] =	wrdreg $0xC0  }
0x23: {  	_ =	task [dreg:s6], $0x5FFFF  }
0x24: {  	[dreg:$0x1] =	wrdreg $0xFFFFFFFF  }
0x25: {  	[dreg:$0x0] =	wrdreg $0x60  }
0x26: {  	[dreg:$0x2] =	wrdreg s25  }
0x27: {  	[dreg:$0x3] =	wrdreg $0x9  }
0x28: {  	_ =	task.clear_ibuf [dreg:s6], $0x4FFFF;
	_ =	strace $0x90000046  }
0x29: {  	s29 =	simm.s32 $0x9;
	_ =	strace $0x80000048  }
0x2a: {  	_ =	swait.ge [sflag:s29], $0x1  }
0x2b: {  	[sflag:s29] =	ssyncadd.s32 $0xFFFFFFFF  }
0x2c: {  	_ =	strace $0x90000048  }
0x2d: {  	_ =	sfence  }
0x2e: {  	s30 =	sld [smem:$0x0];
	_ =	sdelay $0x2  }
0x2f: {  	s31 =	sshll.u32 s3, $0xD;
	s3 =	sshrl.u32 s3, $0x2  }
0x30: {  	s2 =	sand.u32 $0x4000, s31;
	s1 =	sadd.s32 s3, s30  }
0x31: {  	s0 =	sor.u32 s2, s0;
	s1 =	sshll.u32 s1, $0x11  }
0x32: {  	s0 =	sor.u32 s1, s0  }
0x33: {  	s0 =	sadd.s32 $0x8F2B, s0  }
0x34: {  	[sflag:s0] =	ssyncadd.remote.s32 $0x1  }
0x35: {  	_ =	sfence.sel $0xFFFF  }
0x36: {  	[dreg:$0x0] =	wrdreg $0xFFFFFFFF;
	(pc) =	sbr.abs _section_cstart, $3  }
0x37: {  	[dreg:$0x1] =	wrdreg $0xFFFFFFFF  }
0x38: {  	_ =	task.clear_ibuf [dreg:s6], $0x2FFFF;
	_ =	strace $0x9FFFFFFF  }
0x39: {  	(tm) =	ssettm $0x7FFFFFFF  }
tec
execute0_lowered:
.L_overlay_start_1:
0x0: {  	(tag) =	ssettag $0x1  }
0x1: {  	s1 =	rddreg [dreg:$0x0]  }
0x2: {  	s0 =	rddreg [dreg:$0x1]  }
0x3: {  	_ =	strace $0x80000047;
	s4 =	srdreg.scid;
	s6 =	simm.s32 $0x2  }
0x4: {  	s12 =	simm.s32 $0x0;
	p0 =	por $0x0, $0x0;
	s11 =	simm.s32 $0x0  }
.Ltmp0:
0x5: {  	s13 =	simm.s32 $0x0;
	s8 =	simm.s32 $0x0;
	(pc) =	sbr.rel .LBB1_1-.Ltmp0, $4  }
0x6: {  	s10 =	stileid.u32;
	s7 =	simm.s32 $0x0;
	s2 =	sadd.s32 $0x189400, s1  }
0x7: {  	s3 =	sadd.s32 $0x2F4400, s1;
	s5 =	sshll.u32 s4, $0x7;
	s4 =	simm.s32 $0x1  }
0x8: {  	s1 =	stileid.u32;
	s5 =	sand.u32 $0x80, s5;
	[sflag:s4] =	ssyncpa.u1 $0x0  }
0x9: {  	[sflag:s6] =	ssyncpa.u1 $0x0;
	s6 =	simm.s32 $0x2000;
	s9 =	smov.u32 s5  }
.LBB1_5:
0xa: {  	s14 =	sadd.s32 $0x80, s8  }
0xb: {  	s11 =	sadd.s32 $0x100, s9;
	s15 =	smov.u32 s9;
	p2 =	sgt.s32 s14, $0x2FF  }
0xc: {  	s15 =	smov.u32 @p2 s11  }
0xd: {  	s17 =	smov.u32 s10;
	s11 =	sadd.s32 $0x10, s10;
	p3 =	sgt.s32 s15, $0x3C0  }
0xe: {  	p1 =	slt.u32 s7, $0x2;
	s17 =	smov.u32 @p3 s11  }
0xf: {  	s7 =	sadd.s32 $0x1, s7;
	s14 =	simm.s32 @p2 $0x0;
	p2 =	sgt.s32 s17, $0xF  }
0x10: {  	s17 =	smov.u32 @p2 s1;
	p2 =	sne.s32 s7, $0x1A  }
.Ltmp1:
0x11: {  	s16 =	simm.s32 @!p1 $0x2;
	(pc) =	sbr.rel @!p2 .LBB1_6-.Ltmp1, $4  }
0x12: {  	s12 =	smov.u32 s8;
	_ =	swait.ge @!p1 [sflag:s16], $0x4000  }
0x13: {  	s13 =	smov.u32 s10;
	p0 =	por !p0, !p0;
	[sflag:s16] =	ssyncset.done @!p1 $0x0  }
0x14: {  	s8 =	smov.u32 s14;
	s15 =	smov.u32 @p3 s5;
	s11 =	smov.u32 s9  }
0x15: {  	[sflag:s16] =	ssyncadd.s32 @!p1 $0xFFFFC000;
	s9 =	smov.u32 s15;
	s10 =	smov.u32 s17  }
.LBB1_1:
0x16: {  	p1 =	sgt.u32 s7, $0x17  }
0x17: {  	s19 =	smov.u32 s8;
	s14 =	sshrl.u32 @!p1 s9, $0x3  }
0x18: {  	s15 =	sshll.u32 @!p1 s8, $0x3;
	p2 =	sgt.s32 @!p1 s10, $0xF;
	s14 =	smul.u32 @!p1 $0x1800, s14  }
0x19: {  	s16 =	sshra.s32 @!p1 s10, $0x1F;
	s17 =	sshll.u32 @!p1 s9, $0x7;
	s15 =	sand.u32 @!p1 $0xFFFFFC00, s15  }
0x1a: {  	p2 =	por !p2, p1;
	s14 =	sadd.s32 @!p1 s14, s15;
	s15 =	smov.u32 s10  }
0x1b: {  	s16 =	sand.u32 @!p1 s16, s10;
	s17 =	sand.u32 @!p1 $0x380, s17;
	s15 =	simm.s32 @p2 $0xF  }
0x1c: {  	p2 =	sgt.s32 @!p1 s9, $0x348;
	s14 =	sor.u32 @!p1 s17, s14;
	s15 =	ssub.s32 @!p1 s15, s16  }
0x1d: {  	s17 =	smov.u32 s9;
	p2 =	por !p2, p1;
	s16 =	sadd.s32 @!p1 $0xFFFFFFF1, s15  }
0x1e: {  	s17 =	simm.s32 @p2 $0x348;
	p2 =	sgt.s32 @!p1 s16, $0x0;
	s16 =	sshra.s32 @!p1 s9, $0x1F  }
0x1f: {  	s15 =	ssub.s32 @!p1 $0x10, s15;
	p2 =	por !p2, p1;
	s16 =	sand.u32 @!p1 s16, s9  }
0x20: {  	s15 =	simm.s32 @!p2 $0x0;
	s16 =	ssub.s32 @!p1 s17, s16;
	p2 =	sgt.s32 @!p1 s8, $0x280  }
0x21: {  	s17 =	smulhi.u32 @!p1 $0xAAAAAAAB, s14;
	s18 =	sadd.s32 @!p1 $0xFFFFFCB8, s16;
	p2 =	por !p2, p1  }
0x22: {  	s19 =	simm.s32 @p2 $0x280;
	p2 =	sgt.s32 @!p1 s18, $0x7F;
	s18 =	sshra.s32 @!p1 s8, $0x1F  }
0x23: {  	s16 =	ssub.s32 @!p1 $0x3C8, s16;
	p2 =	por !p2, p1;
	s18 =	sand.u32 @!p1 s18, s8  }
0x24: {  	s17 =	sshrl.u32 @!p1 s17, $0x9;
	s18 =	ssub.s32 @!p1 s19, s18;
	s16 =	simm.s32 @!p2 $0x0  }
0x25: {  	s19 =	sand.u32 @!p1 $0x7F, s8;
	s15 =	smul.u32 @!p1 s15, s16;
	s16 =	sadd.s32 @!p1 $0xFFFFFD80, s18  }
0x26: {  	s14 =	sor.u32 @!p1 s19, s14;
	s19 =	smulhi.u32 @!p1 $0x43B3D6, s17;
	p2 =	sgt.s32 @!p1 s16, $0x7F  }
0x27: {  	s18 =	ssub.s32 @!p1 $0x300, s18;
	s16 =	smulhi.u32 @!p1 $0xAAAAAAAB, s14;
	p2 =	por !p2, p1  }
0x28: {  	s19 =	smul.u32 @!p1 $0x3C8, s19;
	s18 =	simm.s32 @!p2 $0x0  }
0x29: {  	s16 =	sshrl.u32 @!p1 s16, $0x9;
	s15 =	smul.u32 @!p1 s18, s15  }
0x2a: {  	s18 =	sxor.u32 @!p1 $0xFFFFFFFF, s7;
	s16 =	smul.u32 @!p1 $0x300, s16  }
0x2b: {  	s17 =	ssub.s32 @!p1 s17, s19;
	s19 =	smul.u32 @!p1 $0x16B00, s10;
	s18 =	sshll.u32 @!p1 s18, $0xE  }
0x2c: {  	s18 =	sand.u32 @!p1 $0x4000, s18;
	s14 =	ssub.s32 @!p1 s14, s16;
	s16 =	smul.u32 @!p1 $0x60, s17  }
0x2d: {  	s15 =	sand.u32 @!p1 $0x3FFFFFFF, s15;
	s17 =	sadd.s32 @!p1 s2, s19;
	s19 =	sand.u32 @!p1 $0x7, s14  }
0x2e: {  	s14 =	sshrl.u32 @!p1 s14, $0x3;
	s16 =	sadd.s32 @!p1 s16, s17;
	s17 =	sshll.u32 @!p1 s19, $0x12  }
0x2f: {  	s14 =	sadd.s32 @!p1 s14, s16;
	s16 =	sor.u32 @!p1 $0x400, s17;
	s17 =	simm.s32 @!p1 $0x1800  }
0x30: {  	[tilespmem:s18], [sflag:$0x1] =	stream.strided.gather @!p1 [hbm4b:s14+s16], s15, s17, s16, $0x38;
	[tilespmem:$0x10100] =	vst v63  }
0x31: {  	p1 =	seq.s32 s7, $0x0  }
0x32: {  	p2 =	seq.s32 @!p1 s7, $0x19  }
0x33: {  	p1 =	por p1, p2  }
.Ltmp2:
0x34: {  	_ = 	snop;
	(pc) =	sbr.rel @p1 .LBB1_5-.Ltmp2, $1  }
0x35: {  	_ =	sdelay $0x3  }
0x36: {  	p1 =	sgt.s32 s13, $0xF;
	s14 =	smov.u32 s13;
	s15 =	sshra.s32 s13, $0x1F  }
0x37: {  	s14 =	simm.s32 @!p1 $0xF;
	s15 =	sand.u32 s15, s13  }
0x38: {  	s14 =	ssub.s32 s14, s15  }
0x39: {  	p2 =	sgt.s32 s11, $0x348;
	s16 =	sshra.s32 s11, $0x1F;
	s15 =	sadd.s32 $0xFFFFFFF1, s14  }
0x3a: {  	s17 =	sshra.s32 s12, $0x1F;
	p1 =	sgt.s32 s15, $0x0;
	s15 =	smov.u32 s11  }
0x3b: {  	s16 =	sand.u32 s16, s11;
	s17 =	sand.u32 s17, s12;
	s15 =	simm.s32 @!p2 $0x348  }
0x3c: {  	p2 =	sgt.s32 s12, $0x280;
	s15 =	ssub.s32 s15, s16;
	s16 =	smov.u32 s12  }
0x3d: {  	s14 =	ssub.s32 $0x10, s14;
	s18 =	sadd.s32 $0xFFFFFCB8, s15;
	s16 =	simm.s32 @!p2 $0x280  }
0x3e: {  	s15 =	ssub.s32 $0x3C8, s15;
	p2 =	sgt.s32 s18, $0x7F;
	s16 =	ssub.s32 s16, s17  }
0x3f: {  	s14 =	simm.s32 @p1 $0x0;
	s15 =	simm.s32 @p2 $0x0;
	s17 =	sadd.s32 $0xFFFFFD80, s16  }
0x40: {  	s14 =	smul.u32 s14, s15;
	p1 =	sgt.s32 s17, $0x7F;
	s15 =	ssub.s32 $0x300, s16  }
0x41: {  	s15 =	simm.s32 @p1 $0x0  }
0x42: {  	s14 =	smul.u32 s15, s14;
	_ =	sdelay $0x1  }
0x43: {  	s15 =	simm.s32 $0x1;
	s14 =	sand.u32 $0x3FFFFFFF, s14  }
0x44: {  	s15 =	simm.s32 @!p0 $0x0;
	_ =	swait.ge [sflag:s4], s14  }
0x45: {  	s28 =	sshll.u32 s15, $0xE;
	s14 =	ssub.s32 $0x0, s14;
	[sflag:s4] =	ssyncset.done $0x0  }
0x46: {  	s29 =	sor.u32 $0x40, s28;
	[sflag:s4] =	ssyncadd.s32 s14  }
0x47: {  	s30 =	smul.u32 $0x10200, s15;
	v0 =	vld [tilespmem:s29+$0x30]  }
0x48: {  	v1 =	vld [tilespmem:s29+$0xFFFFFFD0]  }
0x49: {  	s14 =	sshrl.u32 s30, $0x2;
	v5 =	vld [tilespmem:s29+$0xFFFFFFE0]  }
0x4a: {  	s15 =	sor.u32 $0x8000, s14;
	v6 =	vld [tilespmem:s29+$0xFFFFFFF0]  }
0x4b: {  	s31 =	sand.u32 $0x1, s7;
	v4 =	vld [tilespmem:s29+$0x0];
	s16 =	sadd.s32 $0x0, s15  }
0x4c: {  	s14 =	smul.u32 $0x10200, s31;
	v3 =	vld [tilespmem:s29+$0x10];
	[tilespmem:s16+$0x3870 ss:$0x81] =	vst.msk $0xffff, v0  }
0x4d: {  	v2 =	vld [tilespmem:s29+$0x20];
	[tilespmem:s16+$0x810 ss:$0x81] =	vst.msk $0xffff, v1  }
0x4e: {  	s17 =	sadd.s32 $0x80, s29;
	s14 =	sshrl.u32 s14, $0x2;
	v0 =	vld [tilespmem:s29+$0xFFFFFFC0];
	[tilespmem:s16+$0x1020 ss:$0x81] =	vst.msk $0xffff, v5  }
0x4f: {  	s19 =	simm.s32 $0x8;
	s18 =	simm.s32 $0x4;
	s14 =	sor.u32 $0x8000, s14;
	v1 =	vld [tilespmem:s17+$0x30];
	[tilespmem:s16+$0x1830 ss:$0x81] =	vst.msk $0xffff, v6  }
.LBB1_3:
0x50: {  	p1 =	sne.s32 s19, $0x1FC;
	v5 =	vld [tilespmem:s17+$0xFFFFFFD0];
	[tilespmem:s16+$0x2040 ss:$0x81] =	vst.msk $0xffff, v4  }
0x51: {  	v6 =	vld [tilespmem:s17+$0xFFFFFFE0];
	[tilespmem:s16+$0x2850 ss:$0x81] =	vst.msk $0xffff, v3  }
0x52: {  	s20 =	sshra.s32 s18, $0x2;
	s18 =	smov.u32 s19;
	v7 =	vld [tilespmem:s17+$0xFFFFFFF0];
	[tilespmem:s16+$0x3060 ss:$0x81] =	vst.msk $0xffff, v2  }
.Ltmp3:
0x53: {  	v4 =	vld [tilespmem:s17+$0x0];
	[tilespmem:s16+$0x0 ss:$0x81] =	vst.msk $0xffff, v0;
	s16 =	sadd.s32 s20, s15;
	(pc) =	sbr.rel @p1 .LBB1_3-.Ltmp3, $4  }
0x54: {  	v3 =	vld [tilespmem:s17+$0x10];
	[tilespmem:s16+$0x3870 ss:$0x81] =	vst.msk $0xffff, v1  }
0x55: {  	[tilespmem:s16+$0x810 ss:$0x81] =	vst.msk $0xffff, v5;
	v2 =	vld [tilespmem:s17+$0x20]  }
0x56: {  	v0 =	vld [tilespmem:s17+$0xFFFFFFC0];
	[tilespmem:s16+$0x1020 ss:$0x81] =	vst.msk $0xffff, v6;
	s17 =	sadd.s32 $0x80, s17  }
0x57: {  	s19 =	sadd.s32 $0x4, s19;
	v1 =	vld [tilespmem:s17+$0x30];
	[tilespmem:s16+$0x1830 ss:$0x81] =	vst.msk $0xffff, v7  }
0x58: {  	v5 =	vld [tilespmem:s17+$0xFFFFFFD0];
	[tilespmem:s16+$0x2040 ss:$0x81] =	vst.msk $0xffff, v4  }
0x59: {  	s19 =	sshll.u32 s12, $0xA;
	s20 =	sshll.u32 s11, $0x3;
	v58 =	vld [tilespmem:s17+$0xFFFFFFE0];
	[tilespmem:s16+$0x2850 ss:$0x81] =	vst.msk $0xffff, v3  }
0x5a: {  	s18 =	sshra.s32 s18, $0x2;
	v59 =	vld [tilespmem:s17+$0xFFFFFFF0];
	s19 =	sand.u32 $0xFFFFE000, s19;
	s20 =	sand.u32 $0xFFFFFC00, s20;
	[tilespmem:s16+$0x3060 ss:$0x81] =	vst.msk $0xffff, v2  }
0x5b: {  	v60 =	vld [tilespmem:s17+$0x0];
	s15 =	sadd.s32 s18, s15;
	s19 =	sadd.s32 s20, s19;
	[tilespmem:s16+$0x0 ss:$0x81] =	vst.msk $0xffff, v0  }
0x5c: {  	v61 =	vld [tilespmem:s17+$0x10];
	s26 =	sshrl.u32 s19, $0xA;
	[tilespmem:s15+$0x3870 ss:$0x81] =	vst.msk $0xffff, v1  }
0x5d: {  	v62 =	vld [tilespmem:s17+$0x20];
	s27 =	smulhi.u32 $0x555556, s26;
	[tilespmem:s15+$0x810 ss:$0x81] =	vst.msk $0xffff, v5  }
0x5e: {  	v63 =	vld [tilespmem:s17+$0xFFFFFFC0];
	s28 =	sshll.u32 s12, $0x7;
	s13 =	smul.u32 $0x18000, s13;
	[tilespmem:s15+$0x1020 ss:$0x81] =	vst.msk $0xffff, v58  }
0x5f: {  	s30 =	sand.u32 $0x78, s11;
	s12 =	sand.u32 $0x380, s28;
	[tilespmem:s15+$0x1830 ss:$0x81] =	vst.msk $0xffff, v59;
	s29 =	smul.u32 $0x300, s27  }
.Ltmp4:
0x60: {  	s31 =	sand.u32 $0x7, s11;
	s12 =	sor.u32 s30, s12;
	[tilespmem:s15+$0x2040 ss:$0x81] =	vst.msk $0xffff, v60;
	(pc) =	sbr.rel .LBB1_5-.Ltmp4, $4  }
0x61: {  	s13 =	sadd.s32 s3, s13;
	s12 =	sshrl.u32 s12, $0x3;
	[tilespmem:s15+$0x2850 ss:$0x81] =	vst.msk $0xffff, v61;
	s16 =	ssub.s32 s26, s29  }
0x62: {  	s11 =	sshll.u32 s31, $0x12;
	s12 =	sadd.s32 s12, s13;
	[tilespmem:s15+$0x3060 ss:$0x81] =	vst.msk $0xffff, v62;
	s16 =	sshll.u32 s16, $0x7  }
0x63: {  	s11 =	sor.u32 $0x400, s11;
	[tilespmem:s15+$0x0 ss:$0x81] =	vst.msk $0xffff, v63;
	s12 =	sadd.s32 s16, s12  }
0x64: {  	[hbm4b:s12+s11] =	stream.strided.scatter [tilespmem:s14], [sflag:$0x2], $0x4000, s6, s11, $0x20;
	[tilespmem:$0x10100] =	vst v63  }
.LBB1_6:
0x65: {  	_ =	sfence.sel $0x180000  }
0x66: {  	s2 =	simm.s32 $0x1;
	[bflag:$0x0] =	sbarrier.arrive $0xFFFF  }
0x67: {  	s31 =	simm.s32 $0x2;
	[sflag:s2] =	ssyncpa.u1 $0x1  }
0x68: {  	[sflag:s31] =	ssyncpa.u1 $0x1  }
0x69: {  	p0 =	sne.s32 s1, $0x0;
	_ =	strace $0x90000047  }
0x6a: {  	s0 =	sadd.s32 @!p0 $0x100000, s0;
	[bflag:$0x2] =	sbarrier.arrive $0xFFFF  }
0x6b: {  	[sflag:s0] =	ssyncadd.tile.s32 @!p0 $0x1;
	_ =	shalt  }
.Lfunc_end1:
_tile_overlayer_lowered:
.L_overlay_start_2:
0x6c: {  	(tag) =	ssettag $0x2  }
0x6d: {  	s0 =	rddreg [dreg:$0x0];
	s2 =	stileid.u32  }
0x6e: {  	s1 =	rddreg [dreg:$0x1];
	p0 =	sne.s32 s2, $0x0  }
0x6f: {  	s3 =	rddreg [dreg:$0x2];
	[bflag:$0x3] =	sbarrier.arrive $0xFFFF;
	s2 =	simm.s32 @!p0 $0x1C01  }
0x70: {  	[timem:s3], [sflag:s2] =	dma.local @!p0 [hbm:s0], s1  }
0x71: {  	s0 =	simm.s32 @!p0 $0x1  }
0x72: {  	_ =	swait.ge @!p0 [sflag:s0], s1  }
0x73: {  	s1 =	ssub.s32 @!p0 $0x0, s1;
	[sflag:s0] =	ssyncset.done @!p0 $0x0  }
0x74: {  	[sflag:s0] =	ssyncadd.s32 @!p0 s1  }
0x75: {  	[bflag:$0x3] =	sbarrier.arrive $0xFFFF  }
0x76: {  	_ =	shalt  }

</sc_bundles>
